<compile_context>
chip_gen: v7x
topology: tpu7x:2x2x1
jax: 0.10.2.dev20260603
libtpu: 0.0.44.dev20260713+nightly
codegen_flags: <defaults>
</compile_context>

<pallas_src>
import functools

import jax
import jax.numpy as jnp
from jax import lax
from jax.experimental import pallas as pl
from jax.experimental.pallas import tpu as pltpu
from jax.experimental.pallas import tpu_sc as plsc

N = 10000
E = 320000
D_IN = 128
H = 64
DP = 128

NC = 2
NS = 16
NW = NC * NS
EPT = E // NW
BLK = 80
BLKS = EPT // BLK
RPT0 = 624
TAILO = (NS - 1) * RPT0
TAILN = N - TAILO

BLK2 = 64
BLKS2 = 157
NH = N // 2
RPT0B = 312
TAILOB = (NS - 1) * RPT0B
TAILNB = NH - TAILOB

RB = 1000
GB = N // RB

_f32 = jnp.float32



def _sc_mesh():
    return plsc.VectorSubcoreMesh(core_axis_name="c", subcore_axis_name="s")


def _striped_copy(src, dst, s):
    pltpu.sync_copy(src.at[pl.ds(s * RPT0, RPT0)], dst.at[pl.ds(s * RPT0, RPT0)])

    @pl.when(s == NS - 1)
    def _():
        pltpu.sync_copy(src.at[pl.ds(TAILO, TAILN)], dst.at[pl.ds(TAILO, TAILN)])


def _striped_copy_half(src, dst, s):
    pltpu.sync_copy(src.at[pl.ds(s * RPT0B, RPT0B)],
                    dst.at[pl.ds(s * RPT0B, RPT0B)])

    @pl.when(s == NS - 1)
    def _():
        pltpu.sync_copy(src.at[pl.ds(TAILOB, TAILNB)],
                        dst.at[pl.ds(TAILOB, TAILNB)])


@jax.jit
def _sc_segment_sum(src3, dst3, g, zeros_nd):

    @functools.partial(
        pl.kernel,
        out_type=jax.ShapeDtypeStruct((NC, N, DP), _f32),
        mesh=_sc_mesh(),
        scratch_types=[
            pltpu.VMEM((BLKS, BLK), jnp.int32),
            pltpu.VMEM((BLKS, BLK), jnp.int32),
            pltpu.VMEM((BLK, DP), _f32),
            pltpu.VMEM_SHARED((N, DP), _f32),
            pltpu.SemaphoreType.DMA,
        ],
    )
    def k(src_hbm, dst_hbm, g_hbm, z_hbm, out_hbm, src_t, dst_t, rows, acc, sem):
        c = lax.axis_index("c")
        s = lax.axis_index("s")
        wid = c * NS + s
        pltpu.sync_copy(src_hbm.at[wid], src_t)
        pltpu.sync_copy(dst_hbm.at[wid], dst_t)
        _striped_copy(z_hbm, acc, s)
        plsc.subcore_barrier()

        def body(b, carry):
            pltpu.async_copy(g_hbm.at[src_t.at[b]], rows, sem).wait()
            pltpu.sync_copy(rows, acc.at[dst_t.at[b]], add=True)
            return carry

        lax.fori_loop(0, BLKS, body, 0)
        plsc.subcore_barrier()
        _striped_copy(acc, out_hbm.at[c], s)

    return k(src3, dst3, g, zeros_nd)


@jax.jit
def _sc_degree(dst3, ones_blk, zeros_n16):

    @functools.partial(
        pl.kernel,
        out_type=jax.ShapeDtypeStruct((NC, N, DP), _f32),
        mesh=_sc_mesh(),
        scratch_types=[
            pltpu.VMEM((BLKS, BLK), jnp.int32),
            pltpu.VMEM((BLK, DP), _f32),
            pltpu.VMEM_SHARED((N, DP), _f32),
        ],
    )
    def k(dst_hbm, ones_hbm, z_hbm, out_hbm, dst_t, ones_t, acc):
        c = lax.axis_index("c")
        s = lax.axis_index("s")
        wid = c * NS + s
        pltpu.sync_copy(dst_hbm.at[wid], dst_t)
        pltpu.sync_copy(ones_hbm, ones_t)
        _striped_copy(z_hbm, acc, s)
        plsc.subcore_barrier()

        def body(b, carry):
            pltpu.sync_copy(ones_t, acc.at[dst_t.at[b]], add=True)
            return carry

        lax.fori_loop(0, BLKS, body, 0)
        plsc.subcore_barrier()
        _striped_copy(acc, out_hbm.at[c], s)

    return k(dst3, ones_blk, zeros_n16)


@jax.jit
def _sc_gat(comb3, dstp3, hgxp, zeros_nh):

    @functools.partial(
        pl.kernel,
        out_type=jax.ShapeDtypeStruct((NC, NH, DP), _f32),
        mesh=_sc_mesh(),
        scratch_types=[
            pltpu.VMEM((BLKS2, 2 * BLK2), jnp.int32),
            pltpu.VMEM((BLKS2, BLK2), jnp.int32),
            pltpu.VMEM((2 * BLK2, DP), _f32),
            pltpu.VMEM((BLK2, DP), _f32),
            pltpu.VMEM((8, DP), _f32),
            pltpu.VMEM_SHARED((NH + 8, DP), _f32),
            pltpu.SemaphoreType.DMA,
        ],
    )
    def k(comb_hbm, dst_hbm, hgx_hbm, z_hbm, o_out,
          comb_t, dst_t, rows, rows_w, mrow, acc, sem):
        c = lax.axis_index("c")
        s = lax.axis_index("s")
        wid = c * NS + s
        pltpu.sync_copy(comb_hbm.at[wid], comb_t)
        pltpu.sync_copy(dst_hbm.at[wid], dst_t)
        pltpu.sync_copy(hgx_hbm.at[pl.ds(N, 8)], mrow)
        _striped_copy_half(z_hbm, acc, s)
        zero16 = jnp.zeros((16,), _f32)

        def zbody(j, carry):
            for q in range(3):
                rows_w[j, pl.ds(80 + q * 16, 16)] = zero16
            return carry

        lax.fori_loop(0, BLK2, zbody, 0)
        plsc.subcore_barrier()
        mbv = mrow[1, pl.ds(H, 16)]

        def body(b, carry):
            pltpu.async_copy(hgx_hbm.at[comb_t.at[b]], rows, sem).wait()

            def wbody(j, carry2):
                av = rows[j, pl.ds(H, 16)]
                dv = rows[BLK2 + j, pl.ds(H + 16, 16)]
                z = av + dv
                e = jnp.maximum(z, 0.2 * z)
                t = jnp.exp(e - mbv)
                rows_w[j, pl.ds(H, 16)] = t
                for h in range(4):
                    rows_w[j, pl.ds(h * 16, 16)] = (
                        rows[j, pl.ds(h * 16, 16)] * t[h])
                return carry2

            lax.fori_loop(0, BLK2, wbody, 0)
            pltpu.sync_copy(rows_w, acc.at[dst_t.at[b]], add=True)
            return carry

        lax.fori_loop(0, BLKS2, body, 0)
        plsc.subcore_barrier()
        _striped_copy_half(acc, o_out.at[c], s)

    return k(comb3, dstp3, hgxp, zeros_nh)



def _t1_body(degp_ref, x_ref, w_ref, g_ref, dis_ref):
    deg = degp_ref[0, :, 0:1] + degp_ref[1, :, 0:1] + 1.0
    dis = lax.rsqrt(deg)
    hw = jnp.dot(x_ref[...], w_ref[...], preferred_element_type=_f32)
    g_ref[...] = hw * dis
    dis_ref[...] = dis


def _tc_first(degp, x, w1p):
    return pl.pallas_call(
        _t1_body,
        grid=(GB,),
        in_specs=[
            pl.BlockSpec((NC, RB, DP), lambda i: (0, i, 0)),
            pl.BlockSpec((RB, D_IN), lambda i: (i, 0)),
            pl.BlockSpec((D_IN, DP), lambda i: (0, 0)),
        ],
        out_specs=[
            pl.BlockSpec((RB, DP), lambda i: (i, 0)),
            pl.BlockSpec((RB, 1), lambda i: (i, 0)),
        ],
        out_shape=[
            jax.ShapeDtypeStruct((N, DP), _f32),
            jax.ShapeDtypeStruct((N, 1), _f32),
        ],
    )(degp, x, w1p)


def _stats_body(acc_ref, g_ref, dis_ref, b_ref, z_ref, st_ref, st_acc):
    i = pl.program_id(0)

    @pl.when(i == 0)
    def _():
        st_acc[...] = jnp.zeros_like(st_acc)

    z = dis_ref[...] * (acc_ref[0] + acc_ref[1] + g_ref[...]) + b_ref[...]
    z_ref[...] = z
    st_acc[0:1, :] += jnp.sum(z, axis=0, keepdims=True)
    st_acc[1:2, :] += jnp.sum(z * z, axis=0, keepdims=True)

    @pl.when(i == GB - 1)
    def _():
        st_ref[...] = st_acc[...]


def _tc_conv_stats(acc, g, dis, b):
    return pl.pallas_call(
        _stats_body,
        grid=(GB,),
        in_specs=[
            pl.BlockSpec((NC, RB, DP), lambda i: (0, i, 0)),
            pl.BlockSpec((RB, DP), lambda i: (i, 0)),
            pl.BlockSpec((RB, 1), lambda i: (i, 0)),
            pl.BlockSpec((1, DP), lambda i: (0, 0)),
        ],
        out_specs=[
            pl.BlockSpec((RB, DP), lambda i: (i, 0)),
            pl.BlockSpec((2, DP), lambda i: (0, 0)),
        ],
        out_shape=[
            jax.ShapeDtypeStruct((N, DP), _f32),
            jax.ShapeDtypeStruct((2, DP), _f32),
        ],
        scratch_shapes=[pltpu.VMEM((2, DP), _f32)],
    )(acc, g, dis, b)


def _apply_body(z_ref, st_ref, gam_ref, bet_ref, dis_ref, w_ref, g_ref):
    inv_n = 1.0 / N
    mu = st_ref[0:1, :] * inv_n
    var = st_ref[1:2, :] * inv_n - mu * mu
    y = (z_ref[...] - mu) * lax.rsqrt(var + 1e-5) * gam_ref[...] + bet_ref[...]
    h = jnp.maximum(y, 0.0)
    g_ref[...] = jnp.dot(h, w_ref[...], preferred_element_type=_f32) * dis_ref[...]


def _tc_bn_relu_mm(z, st, gam, bet, dis, wp):
    return pl.pallas_call(
        _apply_body,
        grid=(GB,),
        in_specs=[
            pl.BlockSpec((RB, DP), lambda i: (i, 0)),
            pl.BlockSpec((2, DP), lambda i: (0, 0)),
            pl.BlockSpec((1, DP), lambda i: (0, 0)),
            pl.BlockSpec((1, DP), lambda i: (0, 0)),
            pl.BlockSpec((RB, 1), lambda i: (i, 0)),
            pl.BlockSpec((DP, DP), lambda i: (0, 0)),
        ],
        out_specs=pl.BlockSpec((RB, DP), lambda i: (i, 0)),
        out_shape=jax.ShapeDtypeStruct((N, DP), _f32),
    )(z, st, gam, bet, dis, wp)


def _gatprep_body(z_ref, st_ref, gam_ref, bet_ref, wg_ref, asm_ref, adm_ref,
                  hg_ref, mb_ref, m_acc):
    i = pl.program_id(0)
    inv_n = 1.0 / N
    mu = st_ref[0:1, :] * inv_n
    var = st_ref[1:2, :] * inv_n - mu * mu
    y = (z_ref[...] - mu) * lax.rsqrt(var + 1e-5) * gam_ref[...] + bet_ref[...]
    h3 = jnp.maximum(y, 0.0)
    hg = jnp.dot(h3, wg_ref[...], preferred_element_type=_f32)
    a_s = jnp.dot(hg, asm_ref[...], preferred_element_type=_f32)
    a_d = jnp.dot(hg, adm_ref[...], preferred_element_type=_f32)
    nb = a_s.shape[0]
    hg_ref[...] = jnp.concatenate(
        [hg[:, 0:H], a_s, jnp.zeros((nb, 12), _f32),
         a_d, jnp.zeros((nb, DP - H - 20), _f32)], axis=1)
    bmax_s = jnp.max(a_s, axis=0, keepdims=True)
    bmax_d = jnp.max(a_d, axis=0, keepdims=True)

    @pl.when(i == 0)
    def _():
        m_acc[...] = jnp.full_like(m_acc, -3e38)

    m_acc[0:1, :] = jnp.maximum(m_acc[0:1, :], bmax_s)
    m_acc[1:2, :] = jnp.maximum(m_acc[1:2, :], bmax_d)

    @pl.when(i == GB - 1)
    def _():
        zz = m_acc[0:1, :] + m_acc[1:2, :]
        mb4 = jnp.maximum(zz, 0.2 * zz)
        mb_ref[...] = jnp.concatenate(
            [mb4, jnp.full((1, 12), 3e38, _f32)], axis=1)


def _tc_gat_prep(z, st, gam, bet, wgp, asm, adm):
    return pl.pallas_call(
        _gatprep_body,
        grid=(GB,),
        in_specs=[
            pl.BlockSpec((RB, DP), lambda i: (i, 0)),
            pl.BlockSpec((2, DP), lambda i: (0, 0)),
            pl.BlockSpec((1, DP), lambda i: (0, 0)),
            pl.BlockSpec((1, DP), lambda i: (0, 0)),
            pl.BlockSpec((DP, DP), lambda i: (0, 0)),
            pl.BlockSpec((DP, 4), lambda i: (0, 0)),
            pl.BlockSpec((DP, 4), lambda i: (0, 0)),
        ],
        out_specs=[
            pl.BlockSpec((RB, DP), lambda i: (i, 0)),
            pl.BlockSpec((1, 16), lambda i: (0, 0)),
        ],
        out_shape=[
            jax.ShapeDtypeStruct((N, DP), _f32),
            jax.ShapeDtypeStruct((1, 16), _f32),
        ],
        scratch_shapes=[pltpu.VMEM((2, 4), _f32)],
    )(z, st, gam, bet, wgp, asm, adm)


def _final_body(op_ref, hgx_ref, mb_ref, bg_ref, o_ref):
    a_s = hgx_ref[:, H:H + 4]
    a_d = hgx_ref[:, H + 16:H + 20]
    zz = a_s + a_d
    ee = jnp.maximum(zz, 0.2 * zz)
    ts = jnp.exp(ee - mb_ref[0:1, 0:4])
    s_tot = op_ref[0, :, H:H + 4] + op_ref[1, :, H:H + 4] + ts
    outs = []
    for h in range(4):
        num_h = (op_ref[0, :, h * 16:(h + 1) * 16]
                 + op_ref[1, :, h * 16:(h + 1) * 16]
                 + ts[:, h:h + 1] * hgx_ref[:, h * 16:(h + 1) * 16])
        outs.append(num_h / (s_tot[:, h:h + 1] + 1e-16))
    o = (outs[0] + outs[1] + outs[2] + outs[3]) * 0.25 + bg_ref[...]
    o = jnp.maximum(o, 0.0)
    m = jnp.max(o, axis=1, keepdims=True)
    zc = o - m
    o_ref[...] = zc - jnp.log(jnp.sum(jnp.exp(zc), axis=1, keepdims=True))


def _tc_final(op, hgx, mb, bg):
    return pl.pallas_call(
        _final_body,
        grid=(GB,),
        in_specs=[
            pl.BlockSpec((NC, RB, DP), lambda i: (0, i, 0)),
            pl.BlockSpec((RB, DP), lambda i: (i, 0)),
            pl.BlockSpec((1, 16), lambda i: (0, 0)),
            pl.BlockSpec((1, 16), lambda i: (0, 0)),
        ],
        out_specs=pl.BlockSpec((RB, 16), lambda i: (i, 0)),
        out_shape=jax.ShapeDtypeStruct((N, 16), _f32),
    )(op, hgx, mb, bg)



def _pad2(w, r, c):
    return jnp.zeros((r, c), _f32).at[:w.shape[0], :w.shape[1]].set(w)


def _pad_row(v):
    return jnp.zeros((1, DP), _f32).at[0, :v.shape[0]].set(v)


def kernel(x, edge_index, W1, b1, W2, b2, W3, b3, bn1_g, bn1_b, bn2_g, bn2_b,
           bn3_g, bn3_b, Wg, att_src, att_dst, bg):
    src3 = edge_index[0].reshape(NW, BLKS, BLK)
    dst3 = edge_index[1].reshape(NW, BLKS, BLK)

    zeros_nd = jnp.zeros((N, DP), _f32)
    ones_blk = jnp.ones((BLK, DP), _f32)

    w1p = _pad2(W1, D_IN, DP)
    w2p = _pad2(W2, DP, DP)
    w3p = _pad2(W3, DP, DP)
    wgp = _pad2(Wg, DP, DP)

    degp = _sc_degree(dst3, ones_blk, zeros_nd)

    g1, dis = _tc_first(degp, x, w1p)
    acc1 = _sc_segment_sum(src3, dst3, g1, zeros_nd)
    z1, st1 = _tc_conv_stats(acc1, g1, dis, _pad_row(b1))

    g2 = _tc_bn_relu_mm(z1, st1, _pad_row(bn1_g), _pad_row(bn1_b), dis, w2p)
    acc2 = _sc_segment_sum(src3, dst3, g2, zeros_nd)
    z2, st2 = _tc_conv_stats(acc2, g2, dis, _pad_row(b2))

    g3 = _tc_bn_relu_mm(z2, st2, _pad_row(bn2_g), _pad_row(bn2_b), dis, w3p)
    acc3 = _sc_segment_sum(src3, dst3, g3, zeros_nd)
    z3, st3 = _tc_conv_stats(acc3, g3, dis, _pad_row(b3))

    eye4 = jnp.eye(4, dtype=_f32)
    asm = _pad2((att_src[:, :, None] * eye4[:, None, :]).reshape(H, 4), DP, 4)
    adm = _pad2((att_dst[:, :, None] * eye4[:, None, :]).reshape(H, 4), DP, 4)
    hgx, mb = _tc_gat_prep(z3, st3, _pad_row(bn3_g), _pad_row(bn3_b),
                           wgp, asm, adm)

    pad = BLKS2 * BLK2 * NW - E
    idt = edge_index.dtype
    srcp = jnp.concatenate([edge_index[0], jnp.full((pad,), N, idt)])
    dstp = jnp.concatenate([edge_index[1], jnp.zeros((pad,), idt)])
    src2 = srcp.reshape(NW, BLKS2, BLK2)
    dst2 = dstp.reshape(NW, BLKS2, BLK2)
    comb3 = jnp.concatenate([src2, dst2], axis=2)
    extra = (jnp.zeros((8, DP), _f32)
             .at[0, H:H + 4].set(-1e38)
             .at[1, H:H + 16].set(mb[0]))
    hgxp = jnp.concatenate([hgx, extra], axis=0)
    zeros_nh = jnp.zeros((NH, DP), _f32)
    dstA = jnp.where(dst2 < NH, dst2, NH)
    dstB = jnp.where(dst2 >= NH, dst2 - NH, NH)
    opA = _sc_gat(comb3, dstA, hgxp, zeros_nh)
    opB = _sc_gat(comb3, dstB, hgxp, zeros_nh)
    op = jnp.concatenate([opA, opB], axis=1)

    return _tc_final(op, hgx, mb, bg.reshape(1, 16))

# --- scband reference (transcript-rebuilt; emitter-appended) ---
"""Pipeline reference for scband-network-flow-gcn-40913858462144 (READ-ONLY COPY).

The authoritative reference and input builder live on the scoring server;
editing this copy changes nothing except your own understanding.
"""

import jax, jax.numpy as jnp
import numpy as np

N = 10000
E = 320000
D_IN = 128
H = 64


def _glorot(k, shape):
    lim = np.sqrt(6.0 / (shape[0] + shape[-1]))
    return jax.random.uniform(k, shape, jnp.float32, -lim, lim)


def setup_inputs(seed: int = 0):
    key = jax.random.key(seed)
    ks = jax.random.split(key, 10)
    inp = {}
    inp['x'] = jax.random.normal(ks[0], (N, D_IN), jnp.float32)
    inp['edge_index'] = jax.random.randint(ks[1], (2, E), 0, N)
    inp['W1'] = _glorot(ks[2], (D_IN, H));      inp['b1'] = jnp.zeros((H,), jnp.float32)
    inp['W2'] = _glorot(ks[3], (H, H // 2));    inp['b2'] = jnp.zeros((H // 2,), jnp.float32)
    inp['W3'] = _glorot(ks[4], (H // 2, H // 4)); inp['b3'] = jnp.zeros((H // 4,), jnp.float32)
    inp['bn1_g'] = jnp.ones((H,), jnp.float32);      inp['bn1_b'] = jnp.zeros((H,), jnp.float32)
    inp['bn2_g'] = jnp.ones((H // 2,), jnp.float32); inp['bn2_b'] = jnp.zeros((H // 2,), jnp.float32)
    inp['bn3_g'] = jnp.ones((H // 4,), jnp.float32); inp['bn3_b'] = jnp.zeros((H // 4,), jnp.float32)
    inp['Wg'] = _glorot(ks[5], (H // 4, 4 * (H // 4)))
    inp['att_src'] = _glorot(ks[6], (4, H // 4))
    inp['att_dst'] = _glorot(ks[7], (4, H // 4))
    inp['bg'] = jnp.zeros((H // 4,), jnp.float32)
    return inp


def _gcn_conv(x, src, dst, W, b, n):
    h = x @ W
    deg = jax.ops.segment_sum(jnp.ones(src.shape[0], h.dtype), dst, num_segments=n)
    dis = jnp.where(deg > 0, jax.lax.rsqrt(jnp.maximum(deg, 1e-12)), 0.0)
    norm = dis[src] * dis[dst]
    out = jax.ops.segment_sum(h[src] * norm[:, None], dst, num_segments=n)
    return out + b


def _bn(x, g, b):
    mu = jnp.mean(x, axis=0)
    var = jnp.var(x, axis=0)
    return (x - mu) * jax.lax.rsqrt(var + 1e-5) * g + b


def _gat_conv(x, src, dst, Wg, a_src, a_dst, bias, n, heads, dh):
    h = (x @ Wg).reshape(n, heads, dh)
    alpha_s = jnp.sum(h * a_src[None], axis=-1)  # [n, heads]
    alpha_d = jnp.sum(h * a_dst[None], axis=-1)
    e = jax.nn.leaky_relu(alpha_s[src] + alpha_d[dst], 0.2)  # [e, heads]
    m = jax.ops.segment_max(e, dst, num_segments=n)
    m = jnp.where(jnp.isfinite(m), m, 0.0)
    ex = jnp.exp(e - m[dst])
    s = jax.ops.segment_sum(ex, dst, num_segments=n)
    alpha = ex / (s[dst] + 1e-16)
    out = jax.ops.segment_sum(h[src] * alpha[:, :, None], dst, num_segments=n)
    return jnp.mean(out, axis=1) + bias


def reference(x, edge_index, W1, b1, W2, b2, W3, b3, bn1_g, bn1_b, bn2_g, bn2_b, bn3_g, bn3_b, Wg, att_src, att_dst, bg):
    n = x.shape[0]
    loop = jnp.arange(n, dtype=edge_index.dtype)
    src = jnp.concatenate([edge_index[0], loop])
    dst = jnp.concatenate([edge_index[1], loop])
    h = jax.nn.relu(_bn(_gcn_conv(x, src, dst, W1, b1, n), bn1_g, bn1_b))
    h = jax.nn.relu(_bn(_gcn_conv(h, src, dst, W2, b2, n), bn2_g, bn2_b))
    h = jax.nn.relu(_bn(_gcn_conv(h, src, dst, W3, b3, n), bn3_g, bn3_b))
    h = jax.nn.relu(_gat_conv(h, src, dst, Wg, att_src, att_dst, bg, n, 4, H // 4))
    return jax.nn.log_softmax(h, axis=1)

if __name__ == "__main__":
    import jax
    _d = setup_inputs()
    print(jax.jit(kernel)(*tuple(_d.values())))

</pallas_src>

<mosaic_0001>
#map = affine_map<(d0, d1) -> (0, 0, 0)>
#map1 = affine_map<(d0, d1) -> (0, 0)>
module attributes {stable_mosaic.version = 14 : i64} {
  func.func @k(%arg0: i32, %arg1: i32, %arg2: memref<32x125x80xi32, #tpu.memory_space<hbm>>, %arg3: memref<80x128xf32, #tpu.memory_space<hbm>>, %arg4: memref<10000x128xf32, #tpu.memory_space<hbm>>, %arg5: memref<2x10000x128xf32, #tpu.memory_space<hbm>>, %arg6: memref<125x80xi32, #tpu.memory_space<vmem>>, %arg7: memref<80x128xf32, #tpu.memory_space<vmem>>, %arg8: memref<10000x128xf32, #tpu.memory_space<vmem_shared>>) attributes {dimension_semantics = [#tpu.dimension_semantics<core_parallel>, #tpu.dimension_semantics<subcore_parallel>], iteration_bounds = array<i64: 2, 16>, scalar_prefetch = 0 : i64, scratch_operands = 3 : i64, tpu.core_type = #tpu.core_type<sc_vector_subcore>, window_params = [{transform_indices = #map}, {transform_indices = #map1}, {transform_indices = #map1}, {transform_indices = #map}]} {
    %mul3A = arith.constant 16 : i32
    %mul3A_0 = arith.muli %arg0, %mul3A : i32
    %add3A = arith.addi %mul3A_0, %arg1 : i32
    "tpu.region"() ({
      %run_scoped3A = tpu.sem_alloc : memref<!tpu.dma_semaphore, #tpu.memory_space<semaphore_mem>>
      %dma_start3A = arith.constant 0 : i32
      %dma_start3A_22 = arith.constant 0 : i32
      %dma_start3A_23 = tpu.memref_slice %arg2[%add3A, %dma_start3A, %dma_start3A_22] : memref<32x125x80xi32, #tpu.memory_space<hbm>> -> memref<1x125x80xi32, #tpu.memory_space<hbm>>
      %dma_start3A_24 = tpu.memref_squeeze %dma_start3A_23 : memref<1x125x80xi32, #tpu.memory_space<hbm>> -> memref<125x80xi32, #tpu.memory_space<hbm>>
      %dma_start3A_25 = arith.constant 0 : i32
      %dma_start3A_26 = arith.constant 0 : i32
      %dma_start3A_27 = tpu.memref_slice %arg2[%add3A, %dma_start3A_25, %dma_start3A_26] : memref<32x125x80xi32, #tpu.memory_space<hbm>> -> memref<1x125x80xi32, #tpu.memory_space<hbm>>
      %dma_start3A_28 = tpu.memref_squeeze %dma_start3A_27 : memref<1x125x80xi32, #tpu.memory_space<hbm>> -> memref<125x80xi32, #tpu.memory_space<hbm>>
      tpu.enqueue_dma source(%dma_start3A_28 : memref<125x80xi32, #tpu.memory_space<hbm>>) target(%arg6 : memref<125x80xi32, #tpu.memory_space<vmem>>) target_semaphore(%run_scoped3A : memref<!tpu.dma_semaphore, #tpu.memory_space<semaphore_mem>>)
      %dma_wait3A = arith.constant 0 : i32
      %dma_wait3A_29 = arith.constant 0 : i32
      %dma_wait3A_30 = tpu.memref_slice %arg2[%add3A, %dma_wait3A, %dma_wait3A_29] : memref<32x125x80xi32, #tpu.memory_space<hbm>> -> memref<1x125x80xi32, #tpu.memory_space<hbm>>
      %dma_wait3A_31 = tpu.memref_squeeze %dma_wait3A_30 : memref<1x125x80xi32, #tpu.memory_space<hbm>> -> memref<125x80xi32, #tpu.memory_space<hbm>>
      %dma_wait3A_32 = arith.constant 0 : i32
      %dma_wait3A_33 = arith.constant 0 : i32
      %dma_wait3A_34 = tpu.memref_slice %arg2[%add3A, %dma_wait3A_32, %dma_wait3A_33] : memref<32x125x80xi32, #tpu.memory_space<hbm>> -> memref<1x125x80xi32, #tpu.memory_space<hbm>>
      %dma_wait3A_35 = tpu.memref_squeeze %dma_wait3A_34 : memref<1x125x80xi32, #tpu.memory_space<hbm>> -> memref<125x80xi32, #tpu.memory_space<hbm>>
      tpu.wait_dma2 semaphore(%run_scoped3A : memref<!tpu.dma_semaphore, #tpu.memory_space<semaphore_mem>>) src(%dma_wait3A_35 : memref<125x80xi32, #tpu.memory_space<hbm>>) dst(%arg6 : memref<125x80xi32, #tpu.memory_space<vmem>>)
      tpu.yield
    }) : () -> ()
    "tpu.region"() ({
      %run_scoped3A = tpu.sem_alloc : memref<!tpu.dma_semaphore, #tpu.memory_space<semaphore_mem>>
      tpu.enqueue_dma source(%arg3 : memref<80x128xf32, #tpu.memory_space<hbm>>) target(%arg7 : memref<80x128xf32, #tpu.memory_space<vmem>>) target_semaphore(%run_scoped3A : memref<!tpu.dma_semaphore, #tpu.memory_space<semaphore_mem>>)
      tpu.wait_dma2 semaphore(%run_scoped3A : memref<!tpu.dma_semaphore, #tpu.memory_space<semaphore_mem>>) src(%arg3 : memref<80x128xf32, #tpu.memory_space<hbm>>) dst(%arg7 : memref<80x128xf32, #tpu.memory_space<vmem>>)
      tpu.yield
    }) : () -> ()
    %mul3A_1 = arith.constant 624 : i32
    %mul3A_2 = arith.muli %arg1, %mul3A_1 : i32
    %mul3A_3 = arith.constant 624 : i32
    %mul3A_4 = arith.muli %arg1, %mul3A_3 : i32
    "tpu.region"() ({
      %run_scoped3A = tpu.sem_alloc : memref<!tpu.dma_semaphore, #tpu.memory_space<semaphore_mem>>
      %dma_start3A = arith.constant 0 : i32
      %dma_start3A_22 = tpu.memref_slice %arg8[%mul3A_4, %dma_start3A] : memref<10000x128xf32, #tpu.memory_space<vmem_shared>> -> memref<624x128xf32, #tpu.memory_space<vmem_shared>>
      %dma_start3A_23 = arith.constant 0 : i32
      %dma_start3A_24 = tpu.memref_slice %arg4[%mul3A_2, %dma_start3A_23] : memref<10000x128xf32, #tpu.memory_space<hbm>> -> memref<624x128xf32, #tpu.memory_space<hbm>>
      tpu.enqueue_dma source(%dma_start3A_24 : memref<624x128xf32, #tpu.memory_space<hbm>>) target(%dma_start3A_22 : memref<624x128xf32, #tpu.memory_space<vmem_shared>>) target_semaphore(%run_scoped3A : memref<!tpu.dma_semaphore, #tpu.memory_space<semaphore_mem>>)
      %dma_wait3A = arith.constant 0 : i32
      %dma_wait3A_25 = tpu.memref_slice %arg8[%mul3A_4, %dma_wait3A] : memref<10000x128xf32, #tpu.memory_space<vmem_shared>> -> memref<624x128xf32, #tpu.memory_space<vmem_shared>>
      %dma_wait3A_26 = arith.constant 0 : i32
      %dma_wait3A_27 = tpu.memref_slice %arg4[%mul3A_2, %dma_wait3A_26] : memref<10000x128xf32, #tpu.memory_space<hbm>> -> memref<624x128xf32, #tpu.memory_space<hbm>>
      tpu.wait_dma2 semaphore(%run_scoped3A : memref<!tpu.dma_semaphore, #tpu.memory_space<semaphore_mem>>) src(%dma_wait3A_27 : memref<624x128xf32, #tpu.memory_space<hbm>>) dst(%dma_wait3A_25 : memref<624x128xf32, #tpu.memory_space<vmem_shared>>)
      tpu.yield
    }) : () -> ()
    %eq3A = arith.constant 15 : i32
    %eq3A_5 = arith.cmpi eq, %arg1, %eq3A : i32
    %convert_element_type3A = arith.extui %eq3A_5 : i1 to i32
    %cond3A = arith.constant 0 : i32
    %cond3A_6 = arith.cmpi ne, %convert_element_type3A, %cond3A : i32
    scf.if %cond3A_6 {
      "tpu.region"() ({
        %run_scoped3A = tpu.sem_alloc : memref<!tpu.dma_semaphore, #tpu.memory_space<semaphore_mem>>
        %dma_start3A = arith.constant 9360 : i32
        %dma_start3A_22 = arith.constant 0 : i32
        %dma_start3A_23 = tpu.memref_slice %arg8[%dma_start3A, %dma_start3A_22] : memref<10000x128xf32, #tpu.memory_space<vmem_shared>> -> memref<640x128xf32, #tpu.memory_space<vmem_shared>>
        %dma_start3A_24 = arith.constant 9360 : i32
        %dma_start3A_25 = arith.constant 0 : i32
        %dma_start3A_26 = tpu.memref_slice %arg4[%dma_start3A_24, %dma_start3A_25] : memref<10000x128xf32, #tpu.memory_space<hbm>> -> memref<640x128xf32, #tpu.memory_space<hbm>>
        tpu.enqueue_dma source(%dma_start3A_26 : memref<640x128xf32, #tpu.memory_space<hbm>>) target(%dma_start3A_23 : memref<640x128xf32, #tpu.memory_space<vmem_shared>>) target_semaphore(%run_scoped3A : memref<!tpu.dma_semaphore, #tpu.memory_space<semaphore_mem>>)
        %dma_wait3A = arith.constant 9360 : i32
        %dma_wait3A_27 = arith.constant 0 : i32
        %dma_wait3A_28 = tpu.memref_slice %arg8[%dma_wait3A, %dma_wait3A_27] : memref<10000x128xf32, #tpu.memory_space<vmem_shared>> -> memref<640x128xf32, #tpu.memory_space<vmem_shared>>
        %dma_wait3A_29 = arith.constant 9360 : i32
        %dma_wait3A_30 = arith.constant 0 : i32
        %dma_wait3A_31 = tpu.memref_slice %arg4[%dma_wait3A_29, %dma_wait3A_30] : memref<10000x128xf32, #tpu.memory_space<hbm>> -> memref<640x128xf32, #tpu.memory_space<hbm>>
        tpu.wait_dma2 semaphore(%run_scoped3A : memref<!tpu.dma_semaphore, #tpu.memory_space<semaphore_mem>>) src(%dma_wait3A_31 : memref<640x128xf32, #tpu.memory_space<hbm>>) dst(%dma_wait3A_28 : memref<640x128xf32, #tpu.memory_space<vmem_shared>>)
        tpu.yield
      }) : () -> ()
    } else {
    }
    %barrier3A = arith.constant 0 : index
    tpu.barrier barrier_id(%barrier3A)
    %scan3A = arith.constant 0 : i32
    %scan3A_7 = arith.constant 0 : i32
    %scan3A_8 = arith.constant 125 : i32
    %scan3A_9 = arith.addi %scan3A_7, %scan3A_8 : i32
    %scan3A_10 = arith.constant 1 : i32
    scf.for %scan3A_22 = %scan3A_7 to %scan3A_9 step %scan3A_10  : i32 {
      "tpu.region"() ({
        %run_scoped3A = tpu.sem_alloc : memref<!tpu.dma_semaphore, #tpu.memory_space<semaphore_mem>>
        %dma_start3A = arith.constant 0 : i32
        %dma_start3A_23 = tpu.memref_slice %arg6[%scan3A_22, %dma_start3A] : memref<125x80xi32, #tpu.memory_space<vmem>> -> memref<1x80xi32, #tpu.memory_space<vmem>>
        %dma_start3A_24 = tpu.memref_squeeze %dma_start3A_23 : memref<1x80xi32, #tpu.memory_space<vmem>> -> memref<80xi32, #tpu.memory_space<vmem>>
        %dma_start3A_25 = arith.constant 0 : i32
        %dma_start3A_26 = arith.constant 0 : i32
        %dma_start3A_27 = tpu.memref_slice %arg8[%dma_start3A_25, %dma_start3A_26] : memref<10000x128xf32, #tpu.memory_space<vmem_shared>> -> memref<10000x128xf32, #tpu.memory_space<vmem_shared>>
        tpu.enqueue_indirect_dma source(%arg7 : memref<80x128xf32, #tpu.memory_space<vmem>>) target(%dma_start3A_27 : memref<10000x128xf32, #tpu.memory_space<vmem_shared>>) offsets(%dma_start3A_24 : memref<80xi32, #tpu.memory_space<vmem>>) semaphore(%run_scoped3A : memref<!tpu.dma_semaphore, #tpu.memory_space<semaphore_mem>>) {add = true}
        %dma_wait3A = arith.constant 0 : i32
        %dma_wait3A_28 = tpu.memref_slice %arg6[%scan3A_22, %dma_wait3A] : memref<125x80xi32, #tpu.memory_space<vmem>> -> memref<1x80xi32, #tpu.memory_space<vmem>>
        %dma_wait3A_29 = tpu.memref_squeeze %dma_wait3A_28 : memref<1x80xi32, #tpu.memory_space<vmem>> -> memref<80xi32, #tpu.memory_space<vmem>>
        %dma_wait3A_30 = arith.constant 0 : i32
        %dma_wait3A_31 = arith.constant 0 : i32
        %dma_wait3A_32 = tpu.memref_slice %arg8[%dma_wait3A_30, %dma_wait3A_31] : memref<10000x128xf32, #tpu.memory_space<vmem_shared>> -> memref<10000x128xf32, #tpu.memory_space<vmem_shared>>
        tpu.wait_indirect_dma semaphore(%run_scoped3A : memref<!tpu.dma_semaphore, #tpu.memory_space<semaphore_mem>>) src(%arg7 : memref<80x128xf32, #tpu.memory_space<vmem>>) dst(%dma_wait3A_32 : memref<10000x128xf32, #tpu.memory_space<vmem_shared>>)
        tpu.yield
      }) : () -> ()
    }
    %scan3A_11 = arith.constant 125 : i32
    %barrier3A_12 = arith.constant 0 : index
    tpu.barrier barrier_id(%barrier3A_12)
    %mul3A_13 = arith.constant 624 : i32
    %mul3A_14 = arith.muli %arg1, %mul3A_13 : i32
    %mul3A_15 = arith.constant 624 : i32
    %mul3A_16 = arith.muli %arg1, %mul3A_15 : i32
    "tpu.region"() ({
      %run_scoped3A = tpu.sem_alloc : memref<!tpu.dma_semaphore, #tpu.memory_space<semaphore_mem>>
      %dma_start3A = arith.constant 0 : i32
      %dma_start3A_22 = arith.constant 0 : i32
      %dma_start3A_23 = tpu.memref_slice %arg5[%arg0, %dma_start3A, %dma_start3A_22] : memref<2x10000x128xf32, #tpu.memory_space<hbm>> -> memref<1x10000x128xf32, #tpu.memory_space<hbm>>
      %dma_start3A_24 = tpu.memref_squeeze %dma_start3A_23 : memref<1x10000x128xf32, #tpu.memory_space<hbm>> -> memref<10000x128xf32, #tpu.memory_space<hbm>>
      %dma_start3A_25 = arith.constant 0 : i32
      %dma_start3A_26 = tpu.memref_slice %dma_start3A_24[%mul3A_16, %dma_start3A_25] : memref<10000x128xf32, #tpu.memory_space<hbm>> -> memref<624x128xf32, #tpu.memory_space<hbm>>
      %dma_start3A_27 = arith.constant 0 : i32
      %dma_start3A_28 = tpu.memref_slice %arg8[%mul3A_14, %dma_start3A_27] : memref<10000x128xf32, #tpu.memory_space<vmem_shared>> -> memref<624x128xf32, #tpu.memory_space<vmem_shared>>
      tpu.enqueue_dma source(%dma_start3A_28 : memref<624x128xf32, #tpu.memory_space<vmem_shared>>) target(%dma_start3A_26 : memref<624x128xf32, #tpu.memory_space<hbm>>) target_semaphore(%run_scoped3A : memref<!tpu.dma_semaphore, #tpu.memory_space<semaphore_mem>>)
      %dma_wait3A = arith.constant 0 : i32
      %dma_wait3A_29 = arith.constant 0 : i32
      %dma_wait3A_30 = tpu.memref_slice %arg5[%arg0, %dma_wait3A, %dma_wait3A_29] : memref<2x10000x128xf32, #tpu.memory_space<hbm>> -> memref<1x10000x128xf32, #tpu.memory_space<hbm>>
      %dma_wait3A_31 = tpu.memref_squeeze %dma_wait3A_30 : memref<1x10000x128xf32, #tpu.memory_space<hbm>> -> memref<10000x128xf32, #tpu.memory_space<hbm>>
      %dma_wait3A_32 = arith.constant 0 : i32
      %dma_wait3A_33 = tpu.memref_slice %dma_wait3A_31[%mul3A_16, %dma_wait3A_32] : memref<10000x128xf32, #tpu.memory_space<hbm>> -> memref<624x128xf32, #tpu.memory_space<hbm>>
      %dma_wait3A_34 = arith.constant 0 : i32
      %dma_wait3A_35 = tpu.memref_slice %arg8[%mul3A_14, %dma_wait3A_34] : memref<10000x128xf32, #tpu.memory_space<vmem_shared>> -> memref<624x128xf32, #tpu.memory_space<vmem_shared>>
      tpu.wait_dma2 semaphore(%run_scoped3A : memref<!tpu.dma_semaphore, #tpu.memory_space<semaphore_mem>>) src(%dma_wait3A_35 : memref<624x128xf32, #tpu.memory_space<vmem_shared>>) dst(%dma_wait3A_33 : memref<624x128xf32, #tpu.memory_space<hbm>>)
      tpu.yield
    }) : () -> ()
    %eq3A_17 = arith.constant 15 : i32
    %eq3A_18 = arith.cmpi eq, %arg1, %eq3A_17 : i32
    %convert_element_type3A_19 = arith.extui %eq3A_18 : i1 to i32
    %cond3A_20 = arith.constant 0 : i32
    %cond3A_21 = arith.cmpi ne, %convert_element_type3A_19, %cond3A_20 : i32
    scf.if %cond3A_21 {
      "tpu.region"() ({
        %run_scoped3A = tpu.sem_alloc : memref<!tpu.dma_semaphore, #tpu.memory_space<semaphore_mem>>
        %dma_start3A = arith.constant 0 : i32
        %dma_start3A_22 = arith.constant 0 : i32
        %dma_start3A_23 = tpu.memref_slice %arg5[%arg0, %dma_start3A, %dma_start3A_22] : memref<2x10000x128xf32, #tpu.memory_space<hbm>> -> memref<1x10000x128xf32, #tpu.memory_space<hbm>>
        %dma_start3A_24 = tpu.memref_squeeze %dma_start3A_23 : memref<1x10000x128xf32, #tpu.memory_space<hbm>> -> memref<10000x128xf32, #tpu.memory_space<hbm>>
        %dma_start3A_25 = arith.constant 9360 : i32
        %dma_start3A_26 = arith.constant 0 : i32
        %dma_start3A_27 = tpu.memref_slice %dma_start3A_24[%dma_start3A_25, %dma_start3A_26] : memref<10000x128xf32, #tpu.memory_space<hbm>> -> memref<640x128xf32, #tpu.memory_space<hbm>>
        %dma_start3A_28 = arith.constant 9360 : i32
        %dma_start3A_29 = arith.constant 0 : i32
        %dma_start3A_30 = tpu.memref_slice %arg8[%dma_start3A_28, %dma_start3A_29] : memref<10000x128xf32, #tpu.memory_space<vmem_shared>> -> memref<640x128xf32, #tpu.memory_space<vmem_shared>>
        tpu.enqueue_dma source(%dma_start3A_30 : memref<640x128xf32, #tpu.memory_space<vmem_shared>>) target(%dma_start3A_27 : memref<640x128xf32, #tpu.memory_space<hbm>>) target_semaphore(%run_scoped3A : memref<!tpu.dma_semaphore, #tpu.memory_space<semaphore_mem>>)
        %dma_wait3A = arith.constant 0 : i32
        %dma_wait3A_31 = arith.constant 0 : i32
        %dma_wait3A_32 = tpu.memref_slice %arg5[%arg0, %dma_wait3A, %dma_wait3A_31] : memref<2x10000x128xf32, #tpu.memory_space<hbm>> -> memref<1x10000x128xf32, #tpu.memory_space<hbm>>
        %dma_wait3A_33 = tpu.memref_squeeze %dma_wait3A_32 : memref<1x10000x128xf32, #tpu.memory_space<hbm>> -> memref<10000x128xf32, #tpu.memory_space<hbm>>
        %dma_wait3A_34 = arith.constant 9360 : i32
        %dma_wait3A_35 = arith.constant 0 : i32
        %dma_wait3A_36 = tpu.memref_slice %dma_wait3A_33[%dma_wait3A_34, %dma_wait3A_35] : memref<10000x128xf32, #tpu.memory_space<hbm>> -> memref<640x128xf32, #tpu.memory_space<hbm>>
        %dma_wait3A_37 = arith.constant 9360 : i32
        %dma_wait3A_38 = arith.constant 0 : i32
        %dma_wait3A_39 = tpu.memref_slice %arg8[%dma_wait3A_37, %dma_wait3A_38] : memref<10000x128xf32, #tpu.memory_space<vmem_shared>> -> memref<640x128xf32, #tpu.memory_space<vmem_shared>>
        tpu.wait_dma2 semaphore(%run_scoped3A : memref<!tpu.dma_semaphore, #tpu.memory_space<semaphore_mem>>) src(%dma_wait3A_39 : memref<640x128xf32, #tpu.memory_space<vmem_shared>>) dst(%dma_wait3A_36 : memref<640x128xf32, #tpu.memory_space<hbm>>)
        tpu.yield
      }) : () -> ()
    } else {
    }
    return
  }
}

</mosaic_0001>

<sc_bundles>
// kernel: _sc_degree.3.cloned.1.call-start
scs
__scs_entry_jumppad:
0x0: {  	(pc) =	sbr.rel $0x88, $3  }
0x1: {  	(tag) =	ssettag $0x0;
	lr =	simm.s32 $0x1  }
0x2: {  	[smem:$0x3F9E] =	sst lr;
	_ =	strace $0xD0000000  }
0x3: {  	_ = 	snop  }
0x4: {  	_ = 	snop  }
0x5: {  	_ = 	snop  }
0x6: {  	_ = 	snop  }
0x7: {  	_ = 	snop  }
__scs_overlays_trampoline_lowered:
0x8: {  	[smem:$0x3FAD] =	sst s0  }
0x9: {  	[smem:$0x3FAE] =	sst s1  }
0xa: {  	[smem:$0x3FAF] =	sst s2  }
0xb: {  	[smem:$0x3FB0] =	sst s3  }
0xc: {  	[smem:$0x3FB1] =	sst s4  }
0xd: {  	[smem:$0x3FB2] =	sst s5  }
0xe: {  	[smem:$0x3FB3] =	sst s6  }
0xf: {  	[smem:$0x3FB4] =	sst s7  }
0x10: {  	[smem:$0x3FB5] =	sst s8  }
0x11: {  	[smem:$0x3FB6] =	sst s9;
	s0 =	simm.s32 @!p0 $0x0  }
0x12: {  	s1 =	sld [smem:$0x3F9C];
	s0 =	simm.s32 @p0 $0x1  }
0x13: {  	[smem:$0x3FB7] =	sst s0;
	s0 =	simm.s32 @!p1 $0x0  }
0x14: {  	s2 =	sld [smem:$0x3F9B];
	s0 =	simm.s32 @p1 $0x1  }
0x15: {  	[smem:$0x3FB8] =	sst s0;
	s0 =	simm.s32 @!p2 $0x0  }
0x16: {  	s3 =	sld [smem:$0x3FDB];
	s0 =	simm.s32 @p2 $0x1  }
0x17: {  	s4 =	simm.s32 $0x1BF5;
	[smem:$0x3FBA] =	sst s0  }
0x18: {  	s0 =	sld [smem:$0x3F9D];
	_ =	swait.ge [sflag:s4], $0x0  }
0x19: {  	s7 =	sld [smem:$0x3F9E]  }
0x1a: {  	s8 =	sadd.s32 $0xFFFFE003, lr  }
0x1b: {  	s9 =	sadd.s32 $0xFFFFFEF7, lr;
	s5 =	simm.s32 $0xFFFFFFFF;
	p2 =	slt.u32 s8, $0xFFFFF086  }
0x1c: {  	p1 =	slt.u32 s9, $0xF7A;
	s5 =	simm.s32 @!p2 $0x0  }
0x1d: {  	s5 =	simm.s32 @p1 $0x1;
	p0 =	seq.s32 s7, s2  }
0x1e: {  	s7 =	smul.u32 @!p0 $0xF7A, s2;
	p2 =	seq.s32 @!p0 s5, $0x0  }
0x1f: {  	s9 =	smul.u32 $0xF7A, s1;
	s8 =	simm.s32 @!p0 $0x1BF5;
	p2 =	por !p2, p0  }
0x20: {  	[sflag:s8] =	ssyncset.s32 @!p0 $0xFFFFF086;
	s6 =	sadd.s32 @!p0 s3, s7;
	s7 =	simm.s32 @!p0 $0x108  }
0x21: {  	s3 =	sadd.s32 s3, s9;
	s6 =	sadd.s32 @!p0 $0x88, s6;
	s7 =	simm.s32 @p2 $0x1082  }
0x22: {  	[simem:s7], [sflag:s8] =	dma.local @!p0 [hbm:s6], $0xF7A  }
0x23: {  	s9 =	sor.u32 $0xD0000000, s2;
	s6 =	simm.s32 $0x108;
	_ =	swait.ge @!p0 [sflag:s8], $0x0  }
0x24: {  	s3 =	sadd.s32 $0x88, s3;
	s6 =	simm.s32 @!p1 $0x1082;
	[sflag:s4] =	ssyncset.s32 $0xFFFFF086  }
0x25: {  	[simem:s6], [sflag:s4] =	dma.local [hbm:s3], $0xF7A  }
0x26: {  	[smem:$0x3F9E] =	sst s1;
	(tag) =	ssettag s2;
	_ =	strace s9  }
0x27: {  	s1 =	sld [smem:$0x3FAE]  }
0x28: {  	s2 =	sld [smem:$0x3FAF]  }
0x29: {  	s4 =	sld [smem:$0x3FB1]  }
0x2a: {  	p0 =	seq.s32 s5, $0x0;
	s5 =	sld [smem:$0x3FB2]  }
0x2b: {  	s6 =	sld [smem:$0x3FB3]  }
0x2c: {  	s7 =	sld [smem:$0x3FB4]  }
0x2d: {  	s3 =	simm.s32 $0x108;
	s8 =	sld [smem:$0x3FB5]  }
0x2e: {  	s3 =	simm.s32 @!p0 $0x1082;
	s9 =	sld [smem:$0x3FB6]  }
0x2f: {  	lr =	sadd.s32 s0, s3;
	s0 =	sld [smem:$0x3FAD]  }
0x30: {  	s3 =	sld [smem:$0x3FB0]  }
0x31: {  	[smem:$0x3FB9] =	sst s10  }
0x32: {  	s10 =	sld [smem:$0x3FB7];
	_ =	sdelay $0x3  }
0x33: {  	p0 =	seq.s32 s10, $0x1;
	s10 =	sld [smem:$0x3FB9];
	_ =	sdelay $0x3  }
0x34: {  	[smem:$0x3FB9] =	sst s10  }
0x35: {  	s10 =	sld [smem:$0x3FB8];
	_ =	sdelay $0x3  }
0x36: {  	p1 =	seq.s32 s10, $0x1;
	s10 =	sld [smem:$0x3FB9];
	_ =	sdelay $0x3  }
0x37: {  	[smem:$0x3FB9] =	sst s10  }
0x38: {  	s10 =	sld [smem:$0x3FBA]  }
0x39: {  	_ = 	snop;
	(pc) =	sbr.ind lr, $3  }
0x3a: {  	_ = 	snop  }
0x3b: {  	_ = 	snop  }
0x3c: {  	p2 =	seq.s32 s10, $0x1;
	s10 =	sld [smem:$0x3FB9]  }
0x3d: {  	_ =	shalt  }
0x3e: {  	_ =	shalt  }
0x3f: {  	_ =	shalt  }
0x40: {  	_ =	shalt  }
0x41: {  	_ =	shalt  }
0x42: {  	_ =	shalt  }
0x43: {  	_ =	shalt  }
0x44: {  	_ =	shalt  }
0x45: {  	_ =	shalt  }
0x46: {  	_ =	shalt  }
0x47: {  	_ =	shalt  }
0x48: {  	_ =	shalt  }
0x49: {  	_ =	shalt  }
0x4a: {  	_ =	shalt  }
0x4b: {  	_ =	shalt  }
0x4c: {  	_ =	shalt  }
0x4d: {  	_ =	shalt  }
0x4e: {  	_ =	shalt  }
0x4f: {  	_ =	shalt  }
0x50: {  	_ =	shalt  }
0x51: {  	_ =	shalt  }
0x52: {  	_ =	shalt  }
0x53: {  	_ =	shalt  }
0x54: {  	_ =	shalt  }
0x55: {  	_ =	shalt  }
0x56: {  	_ =	shalt  }
0x57: {  	_ =	shalt  }
0x58: {  	_ =	shalt  }
0x59: {  	_ =	shalt  }
0x5a: {  	_ =	shalt  }
0x5b: {  	_ =	shalt  }
0x5c: {  	_ =	shalt  }
0x5d: {  	_ =	shalt  }
0x5e: {  	_ =	shalt  }
0x5f: {  	_ =	shalt  }
0x60: {  	_ =	shalt  }
0x61: {  	_ =	shalt  }
0x62: {  	_ =	shalt  }
0x63: {  	_ =	shalt  }
0x64: {  	_ =	shalt  }
0x65: {  	_ =	shalt  }
0x66: {  	_ =	shalt  }
0x67: {  	_ =	shalt  }
0x68: {  	_ =	shalt  }
0x69: {  	_ =	shalt  }
0x6a: {  	_ =	shalt  }
0x6b: {  	_ =	shalt  }
0x6c: {  	_ =	shalt  }
0x6d: {  	_ =	shalt  }
0x6e: {  	_ =	shalt  }
0x6f: {  	_ =	shalt  }
0x70: {  	_ =	shalt  }
0x71: {  	_ =	shalt  }
0x72: {  	_ =	shalt  }
0x73: {  	_ =	shalt  }
0x74: {  	_ =	shalt  }
0x75: {  	_ =	shalt  }
0x76: {  	_ =	shalt  }
0x77: {  	_ =	shalt  }
0x78: {  	_ =	shalt  }
0x79: {  	_ =	shalt  }
0x7a: {  	_ =	shalt  }
0x7b: {  	_ =	shalt  }
0x7c: {  	_ =	shalt  }
0x7d: {  	_ =	shalt  }
0x7e: {  	_ =	shalt  }
0x7f: {  	_ =	shalt  }
0x80: {  	_ =	shalt  }
0x81: {  	_ =	shalt  }
0x82: {  	_ =	shalt  }
0x83: {  	_ =	shalt  }
0x84: {  	_ =	shalt  }
0x85: {  	_ =	shalt  }
0x86: {  	_ =	shalt  }
0x87: {  	_ =	shalt  }
.Lfunc_end0:
.L_simem_size_0:
called_computation_lowered:
.L_overlay_start_0:
0x88: {  	s2 =	sld [smem:$0x3FD9]  }
0x89: {  	s3 =	sld [smem:$0x3FFE];
	_ =	sdelay $0x1  }
0x8a: {  	s1 =	srdreg.scid  }
0x8b: {  	s0 =	sand.u32 $0x1, s1  }
0x8c: {  	s17 =	sshll.u32 s0, $0xA;
	s2 =	sadd.s32 s3, s2  }
0x8d: {  	s2 =	sadd.s32 s2, s17  }
0x8e: {  	[smem:$0x3FC5] =	sst s2  }
0x8f: {  	_ = 	snop  }
0x90: {  	s2 =	sld [smem:$0x3FC8]  }
0x91: {  	s18 =	sld [smem:$0x3FC7]  }
0x92: {  	s4 =	sld [smem:$0x3FD0];
	(tm) =	ssettm $0x1  }
0x93: {  	s5 =	sld [smem:$0x3FFB];
	_ =	sdelay $0x3  }
0x94: {  	_ =	strace s5  }
0x95: {  	s5 =	sld [smem:$0x3FFC];
	_ =	sdelay $0x3  }
0x96: {  	_ =	strace s5  }
0x97: {  	s5 =	sld [smem:$0x3FFD];
	_ =	sdelay $0x3  }
0x98: {  	_ =	strace s5  }
0x99: {  	_ =	strace $0x8FFFFFFF  }
0x9a: {  	s19 =	sld [smem:$0x3FDB];
	_ =	sdelay $0x1  }
0x9b: {  	s6 =	simm.s32 $_scs_section_size  }
0x9c: {  	s7 =	simm.s32 $_size__tile_overlayer_lowered;
	s8 =	simm.s32 $_tile_overlayer_lowered  }
0x9d: {  	s22 =	simm.s32 $0x1BFF;
	s21 =	sshll.u32 s8, $0x1;
	s5 =	sadd.s32 s6, s19  }
0x9e: {  	s9 =	simm.s32 $0x0;
	s20 =	sshll.u32 s7, $0x1;
	s7 =	sadd.s32 s21, s5  }
0x9f: {  	[timem:s9], [sflag:s22] =	dma.local [hbm:s7], s20  }
0xa0: {  	_ =	swait.ge [sflag:s22], s20  }
0xa1: {  	s6 =	ssub.s32 $0x0, s20;
	[sflag:s22] =	ssyncset.done $0x0  }
0xa2: {  	[sflag:s22] =	ssyncadd.s32 s6;
	_ =	sdelay $0x1  }
0xa3: {  	s23 =	simm.s32 $0x1B8B  }
0xa4: {  	_ =	swait.ge [sflag:s23], $0x1  }
0xa5: {  	[sflag:s23] =	ssyncset.done $0x0  }
0xa6: {  	s25 =	simm.s32 $0x1B8E;
	s24 =	sld [smem:$0x3FFE];
	[sflag:s23] =	ssyncadd.s32 $0xFFFFFFFF  }
0xa7: {  	s26 =	simm.s32 $execute0_lowered;
	[smem:$0x3FD2] =	sst s25  }
0xa8: {  	s7 =	sshll.u32 s26, $0x1;
	_ =	strace $0x80000046;
	[dreg:$0x1] =	wrdreg $0xFFFFFFFF  }
0xa9: {  	s28 =	simm.s32 $_size_execute0_lowered;
	s5 =	sadd.s32 s5, s7;
	[dreg:$0x0] =	wrdreg $0x0  }
0xaa: {  	s7 =	sshll.u32 s28, $0x1;
	[dreg:$0x2] =	wrdreg s5  }
0xab: {  	[dreg:$0x3] =	wrdreg s7  }
0xac: {  	[dreg:$0x4] =	wrdreg $0xC0  }
0xad: {  	_ =	task [dreg:s9], $0x5FFFF  }
0xae: {  	[dreg:$0x1] =	wrdreg $0xFFFFFFFF  }
0xaf: {  	[dreg:$0x0] =	wrdreg $0x60  }
0xb0: {  	[dreg:$0x2] =	wrdreg s24  }
0xb1: {  	[dreg:$0x3] =	wrdreg s2  }
0xb2: {  	[dreg:$0x4] =	wrdreg s18  }
0xb3: {  	[dreg:$0x5] =	wrdreg s4  }
0xb4: {  	[dreg:$0x6] =	wrdreg $0x68000  }
0xb5: {  	[dreg:$0x7] =	wrdreg $0x9  }
0xb6: {  	_ =	task.clear_ibuf [dreg:s9], $0x8FFFF;
	_ =	strace $0x90000046  }
0xb7: {  	s29 =	simm.s32 $0x9;
	_ =	strace $0x80000048  }
0xb8: {  	_ =	swait.ge [sflag:s29], $0x1  }
0xb9: {  	[sflag:s29] =	ssyncadd.s32 $0xFFFFFFFF  }
0xba: {  	_ =	strace $0x90000048  }
0xbb: {  	_ =	sfence  }
0xbc: {  	s30 =	sld [smem:$0x0];
	_ =	sdelay $0x2  }
0xbd: {  	s31 =	sshll.u32 s1, $0xD;
	s1 =	sshrl.u32 s1, $0x2  }
0xbe: {  	s3 =	sand.u32 $0x4000, s31;
	s1 =	sadd.s32 s1, s30  }
0xbf: {  	s0 =	sor.u32 s3, s0;
	s1 =	sshll.u32 s1, $0x11  }
0xc0: {  	s0 =	sor.u32 s1, s0  }
0xc1: {  	s0 =	sadd.s32 $0x8F2B, s0  }
0xc2: {  	[sflag:s0] =	ssyncadd.remote.s32 $0x1  }
0xc3: {  	_ =	sfence.sel $0xFFFF  }
0xc4: {  	[dreg:$0x0] =	wrdreg $0xFFFFFFFF;
	(pc) =	sbr.abs _section_cstart, $3  }
0xc5: {  	[dreg:$0x1] =	wrdreg $0xFFFFFFFF  }
0xc6: {  	_ =	task.clear_ibuf [dreg:s9], $0x2FFFF;
	_ =	strace $0x9FFFFFFF  }
0xc7: {  	(tm) =	ssettm $0x7FFFFFFF  }
tec
execute0_lowered:
.L_overlay_start_1:
0x0: {  	(tag) =	ssettag $0x1  }
0x1: {  	s5 =	rddreg [dreg:$0x0]  }
0x2: {  	s1 =	rddreg [dreg:$0x1]  }
0x3: {  	s7 =	rddreg [dreg:$0x2]  }
0x4: {  	s8 =	rddreg [dreg:$0x3]  }
0x5: {  	s2 =	rddreg [dreg:$0x4]  }
0x6: {  	s0 =	rddreg [dreg:$0x5];
	s4 =	simm.s32 $0x0;
	s6 =	srdreg.scid  }
0x7: {  	s3 =	stileid.u32;
	s14 =	simm.s32 $0x50;
	s17 =	simm.s32 $0x0  }
0x8: {  	[smem:$0x7FF] =	sst s4;
	s6 =	sand.u32 $0x1, s6;
	s11 =	smul.u32 $0x4E000, s3  }
0x9: {  	s9 =	sshll.u32 s3, $0xB;
	s15 =	smul.u32 $0x2700, s3;
	s13 =	sadd.s32 $0x124800, s2  }
0xa: {  	p0 =	sne.s32 s3, $0xF;
	s31 =	sshll.u32 s3, $0x6;
	_ =	strace $0x80000047  }
0xb: {  	s10 =	ssub.s32 $0x2, s6;
	s5 =	sadd.s32 s9, s5;
	s28 =	sshll.u32 s6, $0xF  }
0xc: {  	s30 =	smul.u32 $0x27100, s6;
	s13 =	sshrl.u32 @!p0 s13, $0x3;
	s26 =	sshrl.u32 s10, $0x1  }
0xd: {  	s5 =	sadd.s32 s28, s5;
	s29 =	sshrl.u32 s11, $0x2;
	s6 =	sadd.s32 s7, s15  }
0xe: {  	s7 =	sadd.s32 $0x24900, s7;
	s11 =	sor.u32 $0x1C01, s31;
	s9 =	ssub.s32 s10, s26  }
0xf: {  	s5 =	sadd.s32 $0x400, s5;
	s12 =	sadd.s32 s29, s2;
	s16 =	sadd.s32 s8, s30  }
0x10: {  	s10 =	simm.s32 $0x4000;
	s8 =	smax.u32 s9, $0x1;
	s9 =	simm.s32 $0x1  }
0x11: {  	s12 =	sshrl.u32 s12, $0x3;
	s15 =	sadd.s32 s15, s16;
	s16 =	sadd.s32 @!p0 $0x24900, s16  }
.LBB2_1:
0x12: {  	[tilespmem:s4], [sflag:$0x1] =	stream.linear.gather [hbm4b:s5+s4], $0x3E80, $0x38;
	[tilespmem:$0x1A080] =	vst v63  }
0x13: {  	_ =	swait.ge [sflag:s9], $0x3E80  }
0x14: {  	[sflag:s9] =	ssyncset.done $0x0  }
0x15: {  	[sflag:s9] =	ssyncadd.s32 $0xFFFFC180  }
0x16: {  	[tilespmem:s10], [sflag:$0x1] =	stream.linear.gather [hbm4b:s1+s4], $0x2800, $0x38;
	[tilespmem:$0x1A080] =	vst v63  }
0x17: {  	_ =	swait.ge [sflag:s9], $0x2800  }
0x18: {  	[sflag:s9] =	ssyncset.done $0x0  }
0x19: {  	[sflag:s9] =	ssyncadd.s32 $0xFFFFD800  }
0x1a: {  	[spmem:s12], [sflag:s11] =	dma.local [hbm:s6], $0x2700  }
0x1b: {  	_ =	swait.ge [sflag:s9], $0x2700  }
0x1c: {  	[sflag:s9] =	ssyncset.done $0x0  }
0x1d: {  	s18 =	simm.s32 @!p0 $0x1;
	[sflag:s9] =	ssyncadd.s32 $0xFFFFD900  }
0x1e: {  	[spmem:s13], [sflag:s11] =	dma.local @!p0 [hbm:s7], $0x2800  }
0x1f: {  	_ =	swait.ge @!p0 [sflag:s18], $0x2800  }
0x20: {  	[sflag:s18] =	ssyncset.done @!p0 $0x0  }
0x21: {  	[sflag:s18] =	ssyncadd.s32 @!p0 $0xFFFFD800  }
0x22: {  	s31 =	simm.s32 $0x0;
	[bflag:$0x0] =	sbarrier.arrive $0xFFFF  }
0x23: {  	[spmem:s2] =	stream.indirect.scatter.add.f32 [tilespmem:s10], [sflag:$0x1], $0x80, s31, s14, $0xb8;
	[tilespmem:$0x1A080] =	vst v63  }
0x24: {  	_ =	swait.ge [sflag:s9], $0x2800  }
0x25: {  	s18 =	simm.s32 $0x200;
	[sflag:s9] =	ssyncset.done $0x0  }
.LBB2_2:
0x26: {  	s19 =	sshra.s32 s18, $0x2;
	[sflag:s9] =	ssyncadd.s32 $0xFFFFD800;
	p1 =	sne.s32 s18, $0xF800  }
0x27: {  	[spmem:s2] =	stream.indirect.scatter.add.f32 [tilespmem:s10], [sflag:$0x1], $0x80, s19, s14, $0xb8;
	[tilespmem:$0x1A080] =	vst v63  }
.Ltmp0:
0x28: {  	_ = 	snop;
	(pc) =	sbr.rel @p1 .LBB2_2-.Ltmp0, $4  }
0x29: {  	_ = 	snop  }
0x2a: {  	s18 =	sadd.s32 $0x200, s18  }
0x2b: {  	_ =	swait.ge [sflag:s9], $0x2800  }
0x2c: {  	[sflag:s9] =	ssyncset.done $0x0  }
0x2d: {  	[sflag:s9] =	ssyncadd.s32 $0xFFFFD800  }
0x2e: {  	[bflag:$0x0] =	sbarrier.arrive $0xFFFF  }
0x2f: {  	[hbm:s15], [sflag:s11] =	dma.local [spmem:s12], $0x2700  }
0x30: {  	s17 =	sadd.s32 $0x1, s17;
	_ =	swait.ge [sflag:s9], $0x2700  }
0x31: {  	p1 =	sne.s32 s17, s8;
	[sflag:s9] =	ssyncset.done $0x0  }
.Ltmp1:
0x32: {  	s18 =	simm.s32 @!p0 $0x1;
	[sflag:s9] =	ssyncadd.s32 $0xFFFFD900;
	(pc) =	sbr.rel @p1 .LBB2_1-.Ltmp1, $4  }
0x33: {  	[hbm:s16], [sflag:s11] =	dma.local @!p0 [spmem:s13], $0x2800  }
0x34: {  	_ =	swait.ge @!p0 [sflag:s18], $0x2800  }
0x35: {  	[sflag:s18] =	ssyncset.done @!p0 $0x0  }
0x36: {  	[sflag:s18] =	ssyncadd.s32 @!p0 $0xFFFFD800  }
0x37: {  	_ =	sfence.sel $0x180000  }
0x38: {  	[bflag:$0x0] =	sbarrier.arrive $0xFFFF  }
0x39: {  	p0 =	sne.s32 s3, $0x0;
	_ =	strace $0x90000047  }
0x3a: {  	s0 =	sadd.s32 @!p0 $0x100000, s0;
	[bflag:$0x2] =	sbarrier.arrive $0xFFFF  }
0x3b: {  	[sflag:s0] =	ssyncadd.tile.s32 @!p0 $0x1;
	_ =	shalt  }
.Lfunc_end2:
_tile_overlayer_lowered:
.L_overlay_start_2:
0x3c: {  	(tag) =	ssettag $0x2  }
0x3d: {  	s0 =	rddreg [dreg:$0x0];
	s2 =	stileid.u32  }
0x3e: {  	s1 =	rddreg [dreg:$0x1];
	p0 =	sne.s32 s2, $0x0  }
0x3f: {  	s3 =	rddreg [dreg:$0x2];
	[bflag:$0x3] =	sbarrier.arrive $0xFFFF;
	s2 =	simm.s32 @!p0 $0x1C01  }
0x40: {  	[timem:s3], [sflag:s2] =	dma.local @!p0 [hbm:s0], s1  }
0x41: {  	s0 =	simm.s32 @!p0 $0x1  }
0x42: {  	_ =	swait.ge @!p0 [sflag:s0], s1  }
0x43: {  	s1 =	ssub.s32 @!p0 $0x0, s1;
	[sflag:s0] =	ssyncset.done @!p0 $0x0  }
0x44: {  	[sflag:s0] =	ssyncadd.s32 @!p0 s1  }
0x45: {  	[bflag:$0x3] =	sbarrier.arrive $0xFFFF  }
0x46: {  	_ =	shalt  }

</sc_bundles>
